<compile_context>
chip_gen: v7x
topology: tpu7x:2x2x1
jax: 0.10.2.dev20260603
libtpu: 0.0.44.dev20260713+nightly
codegen_flags: <defaults>
</compile_context>

<pallas_src>
import functools

import jax
import jax.numpy as jnp
from jax import lax
from jax.experimental import pallas as pl
from jax.experimental.pallas import tpu as pltpu
from jax.experimental.pallas import tpu_sc as plsc


S, D, E = 2048, 4096, 8
C = 2 * S
N2 = 2 * S
NC, NS = 2, 16
NW = NC * NS
PW = N2 // NW
NSTEP = 32
DC = D // NSTEP
TS = S // NSTEP


def _fused_kernel(x_ref, w_ref, gum_ref,
                  cw_ref, laux_ref, cwidx_ref, cwrow_ref, dmidx_ref,
                  dmrow_ref, acc_ref):
    i = pl.program_id(0)

    cw_ref[...] = jnp.zeros((TS * E * C // 128, 128), jnp.float32)

    @pl.when(i == 0)
    def _():
        acc_ref[...] = jnp.zeros((S, E), jnp.float32)

    acc_ref[...] += jnp.dot(x_ref[...], w_ref[...],
                            preferred_element_type=jnp.float32)

    @pl.when(i == NSTEP - 1)
    def _():
        logits = acc_ref[...]
        m = jnp.max(logits, axis=1, keepdims=True)
        ex = jnp.exp(logits - m)
        gates = ex / jnp.sum(ex, axis=1, keepdims=True)

        eio = jax.lax.broadcasted_iota(jnp.int32, (S, E), 1)
        gmax = jnp.max(gates, axis=1, keepdims=True)
        e1 = jnp.min(jnp.where(gates == gmax, eio, E), axis=1, keepdims=True)
        m1 = eio == e1
        lw = logits + gum_ref[...]
        lw2 = jnp.where(m1, -jnp.inf, lw)
        lmax = jnp.max(lw2, axis=1, keepdims=True)
        e2 = jnp.min(jnp.where(lw2 == lmax, eio, E), axis=1, keepdims=True)
        m2 = eio == e2
        m1f = m1.astype(jnp.float32)
        m2f = m2.astype(jnp.float32)

        sio = jax.lax.broadcasted_iota(jnp.int32, (S, S), 0)
        tio = jax.lax.broadcasted_iota(jnp.int32, (S, S), 1)
        tri = (tio <= sio).astype(jnp.bfloat16)
        m12 = jnp.concatenate([m1f, m2f], axis=1).astype(jnp.bfloat16)
        c12 = jnp.dot(tri, m12, preferred_element_type=jnp.float32)
        c1 = c12[:, :E]
        c2 = c12[:, E:]
        count1 = jnp.sum(m1f, axis=0, keepdims=True)
        l1 = (jnp.sum(c1 * m1f, axis=1, keepdims=True) - 1.0).astype(jnp.int32)
        l2 = (jnp.sum((c2 + count1) * m2f, axis=1, keepdims=True)
              - 1.0).astype(jnp.int32)

        g1 = jnp.sum(gates * m1f, axis=1, keepdims=True)
        g2 = jnp.sum(gates * m2f, axis=1, keepdims=True)
        denom = jnp.maximum(g1 + g2, jnp.finfo(jnp.float32).eps)
        g1 = g1 / denom
        g2 = g2 / denom

        me = jnp.mean(gates, axis=0, keepdims=True)
        ce = count1 / jnp.float32(S)
        laux_ref[...] = jnp.sum(me * ce, keepdims=True) / jnp.float32(E)

        tok = jax.lax.broadcasted_iota(jnp.int32, (S, 1), 0)
        f1 = (tok * E + e1) * C + l1
        f2 = (tok * E + e2) * C + l2
        fall = jnp.concatenate([f1, f2], axis=0)
        gall = jnp.concatenate([g1, g2], axis=0)
        nz = gall != 0.0
        seg = jax.lax.broadcasted_iota(jnp.int32, (N2, 128), 1)
        cwrow_ref[...] = jnp.where(seg == (fall & 127), gall,
                                   0.0).reshape(NW, PW, 128)
        cwidx_ref[...] = (fall >> 7).reshape(NW, PW)
        word = jnp.where(nz, 1 << (8 * ((fall >> 7) & 3)), 0)
        dmrow_ref[...] = jnp.where(seg == (fall & 127), word,
                                   0).reshape(NW, PW, 128)
        dmidx_ref[...] = (fall >> 9).reshape(NW, PW)


_SC_MESH = plsc.VectorSubcoreMesh(
    core_axis_name="c", subcore_axis_name="s", num_cores=NC, num_subcores=NS)


@functools.partial(
    pl.kernel,
    mesh=_SC_MESH,
    scratch_types=[
        pltpu.VMEM((PW,), jnp.int32),
        pltpu.VMEM((PW, 128), jnp.float32),
        pltpu.VMEM((PW,), jnp.int32),
        pltpu.VMEM((PW, 128), jnp.int32),
        pltpu.SemaphoreType.DMA,
        pltpu.SemaphoreType.DMA,
    ],
)
def _sc_scatter(cw_hbm, dm_hbm, cwidx_h, cwrow_h, dmidx_h, dmrow_h,
                ci_v, cr_v, di_v, dr_v, sem1, sem2):
    wid = lax.axis_index("s") * NC + lax.axis_index("c")
    pltpu.sync_copy(cwidx_h.at[wid], ci_v)
    pltpu.sync_copy(cwrow_h.at[wid], cr_v)
    pltpu.sync_copy(dmidx_h.at[wid], di_v)
    pltpu.sync_copy(dmrow_h.at[wid], dr_v)
    cp1 = pltpu.async_copy(cr_v, cw_hbm.at[ci_v], sem1)
    cp2 = pltpu.async_copy(dr_v, dm_hbm.bitcast(jnp.int32).at[di_v], sem2)
    cp1.wait()
    cp2.wait()


def kernel(input, W):
    gumbel = jax.random.gumbel(jax.random.key(1), (S, E), jnp.float32)
    cw0, laux, cwidx, cwrow, dmidx, dmrow = pl.pallas_call(
        _fused_kernel,
        grid=(NSTEP,),
        in_specs=[
            pl.BlockSpec((S, DC), lambda i: (0, i)),
            pl.BlockSpec((DC, E), lambda i: (i, 0)),
            pl.BlockSpec((S, E), lambda i: (0, 0)),
        ],
        out_specs=(
            pl.BlockSpec((TS * E * C // 128, 128), lambda i: (i, 0)),
            pl.BlockSpec((1, 1), lambda i: (0, 0)),
            pl.BlockSpec((NW, PW), lambda i: (0, 0)),
            pl.BlockSpec((NW, PW, 128), lambda i: (0, 0, 0)),
            pl.BlockSpec((NW, PW), lambda i: (0, 0)),
            pl.BlockSpec((NW, PW, 128), lambda i: (0, 0, 0)),
        ),
        out_shape=(
            jax.ShapeDtypeStruct((S * E * C // 128, 128), jnp.float32),
            jax.ShapeDtypeStruct((1, 1), jnp.float32),
            jax.ShapeDtypeStruct((NW, PW), jnp.int32),
            jax.ShapeDtypeStruct((NW, PW, 128), jnp.float32),
            jax.ShapeDtypeStruct((NW, PW), jnp.int32),
            jax.ShapeDtypeStruct((NW, PW, 128), jnp.int32),
        ),
        scratch_shapes=[pltpu.VMEM((S, E), jnp.float32)],
    )(input, W, gumbel)

    cw_ref = jax.new_ref(cw0)
    dm_ref = jax.new_ref(jnp.zeros((S * E * C // 128, 128), jnp.int8))
    _sc_scatter(cw_ref, dm_ref, cwidx, cwrow, dmidx, dmrow)
    cw = cw_ref[...]
    dm = dm_ref[...].view(jnp.bool_)
    return laux[0, 0], cw, dm

# --- scband reference (transcript-rebuilt; emitter-appended) ---
"""Pipeline reference for scband-top2-gate-6236292514564 (READ-ONLY COPY).

The authoritative reference and input builder live on the scoring server;
editing this copy changes nothing except your own understanding.
"""

import jax, jax.numpy as jnp
import numpy as np


def setup_inputs(seed: int = 0) -> dict:
    key = jax.random.key(seed)
    k1, k2 = jax.random.split(key)
    S, D, E = 2048, 4096, 8
    inp = jax.random.normal(k1, (S, D), dtype=jnp.float32)
    W = jax.random.normal(k2, (D, E), dtype=jnp.float32) * 0.02
    return {"input": inp, "W": W}


def reference(input, W):
    logits = input @ W  # [S, E]
    gates = jax.nn.softmax(logits.astype(jnp.float32), axis=1)
    num_tokens = gates.shape[0]
    num_experts = gates.shape[1]
    capacity = 2 * num_tokens
    # top-1 expert
    indices1_s = jnp.argmax(gates, axis=1)
    mask1 = jax.nn.one_hot(indices1_s, num_experts, dtype=jnp.int32)
    # gumbel-noised logits for second expert choice
    gumbel = jax.random.gumbel(jax.random.key(1), logits.shape, dtype=logits.dtype)
    logits_w_noise = logits + gumbel
    logits_except1 = jnp.where(mask1.astype(bool), -jnp.inf, logits_w_noise)
    indices2_s = jnp.argmax(logits_except1, axis=1)
    mask2 = jax.nn.one_hot(indices2_s, num_experts, dtype=jnp.int32)
    # positions within expert buffers
    locations1 = jnp.cumsum(mask1, axis=0) - 1
    locations2 = jnp.cumsum(mask2, axis=0) - 1
    locations2 = locations2 + jnp.sum(mask1, axis=0, keepdims=True)
    # aux load-balancing loss
    me = jnp.mean(gates, axis=0)
    ce = jnp.mean(mask1.astype(jnp.float32), axis=0)
    l_aux = jnp.mean(me * ce)
    # capacity drop
    mask1 = mask1 * (locations1 < capacity).astype(jnp.int32)
    mask2 = mask2 * (locations2 < capacity).astype(jnp.int32)
    locations1_s = jnp.sum(locations1 * mask1, axis=1)
    locations2_s = jnp.sum(locations2 * mask2, axis=1)
    # gate values
    gates1_s = jnp.sum(gates * mask1.astype(gates.dtype), axis=1)
    gates2_s = jnp.sum(gates * mask2.astype(gates.dtype), axis=1)
    denom_s = jnp.maximum(gates1_s + gates2_s, jnp.finfo(gates1_s.dtype).eps)
    gates1_s = gates1_s / denom_s
    gates2_s = gates2_s / denom_s
    gates1 = gates1_s[:, None] * mask1.astype(gates.dtype)  # [S, E]
    gates2 = gates2_s[:, None] * mask2.astype(gates.dtype)
    locations1_sc = jax.nn.one_hot(locations1_s, capacity, dtype=gates.dtype)  # [S, C]
    locations2_sc = jax.nn.one_hot(locations2_s, capacity, dtype=gates.dtype)
    combine1_sec = gates1[:, :, None] * locations1_sc[:, None, :]  # [S, E, C]
    combine2_sec = gates2[:, :, None] * locations2_sc[:, None, :]
    combine_weights = combine1_sec + combine2_sec
    dispatch_mask = combine_weights.astype(bool)
    return (l_aux.astype(input.dtype), combine_weights.astype(input.dtype), dispatch_mask)

if __name__ == "__main__":
    import jax
    _d = setup_inputs()
    print(jax.jit(kernel)(*tuple(_d.values())))

</pallas_src>

<mosaic_0001>
#map = affine_map<(d0, d1) -> (0, 0)>
#map1 = affine_map<(d0, d1) -> (0, 0, 0)>
module attributes {stable_mosaic.version = 14 : i64} {
  func.func @new_body(%arg0: i32, %arg1: i32, %arg2: memref<524288x128xf32, #tpu.memory_space<hbm>>, %arg3: memref<524288x128xi8, #tpu.memory_space<hbm>>, %arg4: memref<32x128xi32, #tpu.memory_space<hbm>>, %arg5: memref<32x128x128xf32, #tpu.memory_space<hbm>>, %arg6: memref<32x128xi32, #tpu.memory_space<hbm>>, %arg7: memref<32x128x128xi32, #tpu.memory_space<hbm>>, %arg8: memref<524288x128xf32, #tpu.memory_space<hbm>>, %arg9: memref<524288x128xi8, #tpu.memory_space<hbm>>, %arg10: memref<128xi32, #tpu.memory_space<vmem>>, %arg11: memref<128x128xf32, #tpu.memory_space<vmem>>, %arg12: memref<128xi32, #tpu.memory_space<vmem>>, %arg13: memref<128x128xi32, #tpu.memory_space<vmem>>, %arg14: memref<!tpu.dma_semaphore, #tpu.memory_space<semaphore_mem>>, %arg15: memref<!tpu.dma_semaphore, #tpu.memory_space<semaphore_mem>>) attributes {dimension_semantics = [#tpu.dimension_semantics<core_parallel>, #tpu.dimension_semantics<subcore_parallel>], iteration_bounds = array<i64: 2, 16>, scalar_prefetch = 0 : i64, scratch_operands = 6 : i64, tpu.core_type = #tpu.core_type<sc_vector_subcore>, window_params = [{transform_indices = #map}, {transform_indices = #map}, {transform_indices = #map}, {transform_indices = #map1}, {transform_indices = #map}, {transform_indices = #map1}, {transform_indices = #map}, {transform_indices = #map}]} {
    %mul3A = arith.constant 2 : i32
    %mul3A_0 = arith.muli %arg1, %mul3A : i32
    %add3A = arith.addi %mul3A_0, %arg0 : i32
    "tpu.region"() ({
      %run_scoped3A = tpu.sem_alloc : memref<!tpu.dma_semaphore, #tpu.memory_space<semaphore_mem>>
      %dma_start3A_13 = arith.constant 0 : i32
      %dma_start3A_14 = tpu.memref_slice %arg4[%add3A, %dma_start3A_13] : memref<32x128xi32, #tpu.memory_space<hbm>> -> memref<1x128xi32, #tpu.memory_space<hbm>>
      %dma_start3A_15 = tpu.memref_squeeze %dma_start3A_14 : memref<1x128xi32, #tpu.memory_space<hbm>> -> memref<128xi32, #tpu.memory_space<hbm>>
      %dma_start3A_16 = arith.constant 0 : i32
      %dma_start3A_17 = tpu.memref_slice %arg4[%add3A, %dma_start3A_16] : memref<32x128xi32, #tpu.memory_space<hbm>> -> memref<1x128xi32, #tpu.memory_space<hbm>>
      %dma_start3A_18 = tpu.memref_squeeze %dma_start3A_17 : memref<1x128xi32, #tpu.memory_space<hbm>> -> memref<128xi32, #tpu.memory_space<hbm>>
      tpu.enqueue_dma source(%dma_start3A_18 : memref<128xi32, #tpu.memory_space<hbm>>) target(%arg10 : memref<128xi32, #tpu.memory_space<vmem>>) target_semaphore(%run_scoped3A : memref<!tpu.dma_semaphore, #tpu.memory_space<semaphore_mem>>)
      %dma_wait3A_19 = arith.constant 0 : i32
      %dma_wait3A_20 = tpu.memref_slice %arg4[%add3A, %dma_wait3A_19] : memref<32x128xi32, #tpu.memory_space<hbm>> -> memref<1x128xi32, #tpu.memory_space<hbm>>
      %dma_wait3A_21 = tpu.memref_squeeze %dma_wait3A_20 : memref<1x128xi32, #tpu.memory_space<hbm>> -> memref<128xi32, #tpu.memory_space<hbm>>
      %dma_wait3A_22 = arith.constant 0 : i32
      %dma_wait3A_23 = tpu.memref_slice %arg4[%add3A, %dma_wait3A_22] : memref<32x128xi32, #tpu.memory_space<hbm>> -> memref<1x128xi32, #tpu.memory_space<hbm>>
      %dma_wait3A_24 = tpu.memref_squeeze %dma_wait3A_23 : memref<1x128xi32, #tpu.memory_space<hbm>> -> memref<128xi32, #tpu.memory_space<hbm>>
      tpu.wait_dma2 semaphore(%run_scoped3A : memref<!tpu.dma_semaphore, #tpu.memory_space<semaphore_mem>>) src(%dma_wait3A_24 : memref<128xi32, #tpu.memory_space<hbm>>) dst(%arg10 : memref<128xi32, #tpu.memory_space<vmem>>)
      tpu.yield
    }) : () -> ()
    "tpu.region"() ({
      %run_scoped3A = tpu.sem_alloc : memref<!tpu.dma_semaphore, #tpu.memory_space<semaphore_mem>>
      %dma_start3A_13 = arith.constant 0 : i32
      %dma_start3A_14 = arith.constant 0 : i32
      %dma_start3A_15 = tpu.memref_slice %arg5[%add3A, %dma_start3A_13, %dma_start3A_14] : memref<32x128x128xf32, #tpu.memory_space<hbm>> -> memref<1x128x128xf32, #tpu.memory_space<hbm>>
      %dma_start3A_16 = tpu.memref_squeeze %dma_start3A_15 : memref<1x128x128xf32, #tpu.memory_space<hbm>> -> memref<128x128xf32, #tpu.memory_space<hbm>>
      %dma_start3A_17 = arith.constant 0 : i32
      %dma_start3A_18 = arith.constant 0 : i32
      %dma_start3A_19 = tpu.memref_slice %arg5[%add3A, %dma_start3A_17, %dma_start3A_18] : memref<32x128x128xf32, #tpu.memory_space<hbm>> -> memref<1x128x128xf32, #tpu.memory_space<hbm>>
      %dma_start3A_20 = tpu.memref_squeeze %dma_start3A_19 : memref<1x128x128xf32, #tpu.memory_space<hbm>> -> memref<128x128xf32, #tpu.memory_space<hbm>>
      tpu.enqueue_dma source(%dma_start3A_20 : memref<128x128xf32, #tpu.memory_space<hbm>>) target(%arg11 : memref<128x128xf32, #tpu.memory_space<vmem>>) target_semaphore(%run_scoped3A : memref<!tpu.dma_semaphore, #tpu.memory_space<semaphore_mem>>)
      %dma_wait3A_21 = arith.constant 0 : i32
      %dma_wait3A_22 = arith.constant 0 : i32
      %dma_wait3A_23 = tpu.memref_slice %arg5[%add3A, %dma_wait3A_21, %dma_wait3A_22] : memref<32x128x128xf32, #tpu.memory_space<hbm>> -> memref<1x128x128xf32, #tpu.memory_space<hbm>>
      %dma_wait3A_24 = tpu.memref_squeeze %dma_wait3A_23 : memref<1x128x128xf32, #tpu.memory_space<hbm>> -> memref<128x128xf32, #tpu.memory_space<hbm>>
      %dma_wait3A_25 = arith.constant 0 : i32
      %dma_wait3A_26 = arith.constant 0 : i32
      %dma_wait3A_27 = tpu.memref_slice %arg5[%add3A, %dma_wait3A_25, %dma_wait3A_26] : memref<32x128x128xf32, #tpu.memory_space<hbm>> -> memref<1x128x128xf32, #tpu.memory_space<hbm>>
      %dma_wait3A_28 = tpu.memref_squeeze %dma_wait3A_27 : memref<1x128x128xf32, #tpu.memory_space<hbm>> -> memref<128x128xf32, #tpu.memory_space<hbm>>
      tpu.wait_dma2 semaphore(%run_scoped3A : memref<!tpu.dma_semaphore, #tpu.memory_space<semaphore_mem>>) src(%dma_wait3A_28 : memref<128x128xf32, #tpu.memory_space<hbm>>) dst(%arg11 : memref<128x128xf32, #tpu.memory_space<vmem>>)
      tpu.yield
    }) : () -> ()
    "tpu.region"() ({
      %run_scoped3A = tpu.sem_alloc : memref<!tpu.dma_semaphore, #tpu.memory_space<semaphore_mem>>
      %dma_start3A_13 = arith.constant 0 : i32
      %dma_start3A_14 = tpu.memref_slice %arg6[%add3A, %dma_start3A_13] : memref<32x128xi32, #tpu.memory_space<hbm>> -> memref<1x128xi32, #tpu.memory_space<hbm>>
      %dma_start3A_15 = tpu.memref_squeeze %dma_start3A_14 : memref<1x128xi32, #tpu.memory_space<hbm>> -> memref<128xi32, #tpu.memory_space<hbm>>
      %dma_start3A_16 = arith.constant 0 : i32
      %dma_start3A_17 = tpu.memref_slice %arg6[%add3A, %dma_start3A_16] : memref<32x128xi32, #tpu.memory_space<hbm>> -> memref<1x128xi32, #tpu.memory_space<hbm>>
      %dma_start3A_18 = tpu.memref_squeeze %dma_start3A_17 : memref<1x128xi32, #tpu.memory_space<hbm>> -> memref<128xi32, #tpu.memory_space<hbm>>
      tpu.enqueue_dma source(%dma_start3A_18 : memref<128xi32, #tpu.memory_space<hbm>>) target(%arg12 : memref<128xi32, #tpu.memory_space<vmem>>) target_semaphore(%run_scoped3A : memref<!tpu.dma_semaphore, #tpu.memory_space<semaphore_mem>>)
      %dma_wait3A_19 = arith.constant 0 : i32
      %dma_wait3A_20 = tpu.memref_slice %arg6[%add3A, %dma_wait3A_19] : memref<32x128xi32, #tpu.memory_space<hbm>> -> memref<1x128xi32, #tpu.memory_space<hbm>>
      %dma_wait3A_21 = tpu.memref_squeeze %dma_wait3A_20 : memref<1x128xi32, #tpu.memory_space<hbm>> -> memref<128xi32, #tpu.memory_space<hbm>>
      %dma_wait3A_22 = arith.constant 0 : i32
      %dma_wait3A_23 = tpu.memref_slice %arg6[%add3A, %dma_wait3A_22] : memref<32x128xi32, #tpu.memory_space<hbm>> -> memref<1x128xi32, #tpu.memory_space<hbm>>
      %dma_wait3A_24 = tpu.memref_squeeze %dma_wait3A_23 : memref<1x128xi32, #tpu.memory_space<hbm>> -> memref<128xi32, #tpu.memory_space<hbm>>
      tpu.wait_dma2 semaphore(%run_scoped3A : memref<!tpu.dma_semaphore, #tpu.memory_space<semaphore_mem>>) src(%dma_wait3A_24 : memref<128xi32, #tpu.memory_space<hbm>>) dst(%arg12 : memref<128xi32, #tpu.memory_space<vmem>>)
      tpu.yield
    }) : () -> ()
    "tpu.region"() ({
      %run_scoped3A = tpu.sem_alloc : memref<!tpu.dma_semaphore, #tpu.memory_space<semaphore_mem>>
      %dma_start3A_13 = arith.constant 0 : i32
      %dma_start3A_14 = arith.constant 0 : i32
      %dma_start3A_15 = tpu.memref_slice %arg7[%add3A, %dma_start3A_13, %dma_start3A_14] : memref<32x128x128xi32, #tpu.memory_space<hbm>> -> memref<1x128x128xi32, #tpu.memory_space<hbm>>
      %dma_start3A_16 = tpu.memref_squeeze %dma_start3A_15 : memref<1x128x128xi32, #tpu.memory_space<hbm>> -> memref<128x128xi32, #tpu.memory_space<hbm>>
      %dma_start3A_17 = arith.constant 0 : i32
      %dma_start3A_18 = arith.constant 0 : i32
      %dma_start3A_19 = tpu.memref_slice %arg7[%add3A, %dma_start3A_17, %dma_start3A_18] : memref<32x128x128xi32, #tpu.memory_space<hbm>> -> memref<1x128x128xi32, #tpu.memory_space<hbm>>
      %dma_start3A_20 = tpu.memref_squeeze %dma_start3A_19 : memref<1x128x128xi32, #tpu.memory_space<hbm>> -> memref<128x128xi32, #tpu.memory_space<hbm>>
      tpu.enqueue_dma source(%dma_start3A_20 : memref<128x128xi32, #tpu.memory_space<hbm>>) target(%arg13 : memref<128x128xi32, #tpu.memory_space<vmem>>) target_semaphore(%run_scoped3A : memref<!tpu.dma_semaphore, #tpu.memory_space<semaphore_mem>>)
      %dma_wait3A_21 = arith.constant 0 : i32
      %dma_wait3A_22 = arith.constant 0 : i32
      %dma_wait3A_23 = tpu.memref_slice %arg7[%add3A, %dma_wait3A_21, %dma_wait3A_22] : memref<32x128x128xi32, #tpu.memory_space<hbm>> -> memref<1x128x128xi32, #tpu.memory_space<hbm>>
      %dma_wait3A_24 = tpu.memref_squeeze %dma_wait3A_23 : memref<1x128x128xi32, #tpu.memory_space<hbm>> -> memref<128x128xi32, #tpu.memory_space<hbm>>
      %dma_wait3A_25 = arith.constant 0 : i32
      %dma_wait3A_26 = arith.constant 0 : i32
      %dma_wait3A_27 = tpu.memref_slice %arg7[%add3A, %dma_wait3A_25, %dma_wait3A_26] : memref<32x128x128xi32, #tpu.memory_space<hbm>> -> memref<1x128x128xi32, #tpu.memory_space<hbm>>
      %dma_wait3A_28 = tpu.memref_squeeze %dma_wait3A_27 : memref<1x128x128xi32, #tpu.memory_space<hbm>> -> memref<128x128xi32, #tpu.memory_space<hbm>>
      tpu.wait_dma2 semaphore(%run_scoped3A : memref<!tpu.dma_semaphore, #tpu.memory_space<semaphore_mem>>) src(%dma_wait3A_28 : memref<128x128xi32, #tpu.memory_space<hbm>>) dst(%arg13 : memref<128x128xi32, #tpu.memory_space<vmem>>)
      tpu.yield
    }) : () -> ()
    %dma_start3A = arith.constant 0 : i32
    %dma_start3A_1 = arith.constant 0 : i32
    %dma_start3A_2 = tpu.memref_slice %arg2[%dma_start3A, %dma_start3A_1] : memref<524288x128xf32, #tpu.memory_space<hbm>> -> memref<524288x128xf32, #tpu.memory_space<hbm>>
    tpu.enqueue_indirect_dma source(%arg11 : memref<128x128xf32, #tpu.memory_space<vmem>>) target(%dma_start3A_2 : memref<524288x128xf32, #tpu.memory_space<hbm>>) offsets(%arg10 : memref<128xi32, #tpu.memory_space<vmem>>) semaphore(%arg14 : memref<!tpu.dma_semaphore, #tpu.memory_space<semaphore_mem>>)
    %dma_start3A_3 = tpu.memref_bitcast %arg3 : memref<524288x128xi8, #tpu.memory_space<hbm>> -> memref<131072x128xi32, #tpu.memory_space<hbm>>
    %dma_start3A_4 = arith.constant 0 : i32
    %dma_start3A_5 = arith.constant 0 : i32
    %dma_start3A_6 = tpu.memref_slice %dma_start3A_3[%dma_start3A_4, %dma_start3A_5] : memref<131072x128xi32, #tpu.memory_space<hbm>> -> memref<131072x128xi32, #tpu.memory_space<hbm>>
    tpu.enqueue_indirect_dma source(%arg13 : memref<128x128xi32, #tpu.memory_space<vmem>>) target(%dma_start3A_6 : memref<131072x128xi32, #tpu.memory_space<hbm>>) offsets(%arg12 : memref<128xi32, #tpu.memory_space<vmem>>) semaphore(%arg15 : memref<!tpu.dma_semaphore, #tpu.memory_space<semaphore_mem>>)
    %dma_wait3A = arith.constant 0 : i32
    %dma_wait3A_7 = arith.constant 0 : i32
    %dma_wait3A_8 = tpu.memref_slice %arg2[%dma_wait3A, %dma_wait3A_7] : memref<524288x128xf32, #tpu.memory_space<hbm>> -> memref<524288x128xf32, #tpu.memory_space<hbm>>
    tpu.wait_indirect_dma semaphore(%arg14 : memref<!tpu.dma_semaphore, #tpu.memory_space<semaphore_mem>>) src(%arg11 : memref<128x128xf32, #tpu.memory_space<vmem>>) dst(%dma_wait3A_8 : memref<524288x128xf32, #tpu.memory_space<hbm>>)
    %dma_wait3A_9 = tpu.memref_bitcast %arg3 : memref<524288x128xi8, #tpu.memory_space<hbm>> -> memref<131072x128xi32, #tpu.memory_space<hbm>>
    %dma_wait3A_10 = arith.constant 0 : i32
    %dma_wait3A_11 = arith.constant 0 : i32
    %dma_wait3A_12 = tpu.memref_slice %dma_wait3A_9[%dma_wait3A_10, %dma_wait3A_11] : memref<131072x128xi32, #tpu.memory_space<hbm>> -> memref<131072x128xi32, #tpu.memory_space<hbm>>
    tpu.wait_indirect_dma semaphore(%arg15 : memref<!tpu.dma_semaphore, #tpu.memory_space<semaphore_mem>>) src(%arg13 : memref<128x128xi32, #tpu.memory_space<vmem>>) dst(%dma_wait3A_12 : memref<131072x128xi32, #tpu.memory_space<hbm>>)
    return
  }
}

module attributes {stable_mosaic.version = 14 : i64} {
  func.func @_fused_kernel(%arg0: i32, %arg1: memref<2048x128xf32, #tpu.memory_space<vmem>>, %arg2: memref<128x8xf32, #tpu.memory_space<vmem>>, %arg3: memref<2048x8xf32, #tpu.memory_space<vmem>>, %arg4: memref<16384x128xf32, #tpu.memory_space<vmem>>, %arg5: memref<1x1xf32, #tpu.memory_space<vmem>>, %arg6: memref<32x128xi32, #tpu.memory_space<vmem>>, %arg7: memref<32x128x128xf32, #tpu.memory_space<vmem>>, %arg8: memref<32x128xi32, #tpu.memory_space<vmem>>, %arg9: memref<32x128x128xi32, #tpu.memory_space<vmem>>, %arg10: memref<2048x8xf32, #tpu.memory_space<vmem>>) attributes {dimension_semantics = [#tpu.dimension_semantics<arbitrary>], iteration_bounds = array<i64: 32>, scalar_prefetch = 0 : i64, scratch_operands = 1 : i64, tpu.core_type = #tpu.core_type<tc>, window_params = [{transform_indices = @transform_0, window_bounds = array<i64: 2048, 128>}, {transform_indices = @transform_1, window_bounds = array<i64: 128, 8>}, {pipeline_mode = #tpu.pipeline_mode<synchronous>, transform_indices = @transform_2, window_bounds = array<i64: 2048, 8>}, {transform_indices = @transform_3, window_bounds = array<i64: 16384, 128>}, {pipeline_mode = #tpu.pipeline_mode<synchronous>, transform_indices = @transform_4, window_bounds = array<i64: 1, 1>}, {pipeline_mode = #tpu.pipeline_mode<synchronous>, transform_indices = @transform_5, window_bounds = array<i64: 32, 128>}, {pipeline_mode = #tpu.pipeline_mode<synchronous>, transform_indices = @transform_6, window_bounds = array<i64: 32, 128, 128>}, {pipeline_mode = #tpu.pipeline_mode<synchronous>, transform_indices = @transform_7, window_bounds = array<i64: 32, 128>}, {pipeline_mode = #tpu.pipeline_mode<synchronous>, transform_indices = @transform_8, window_bounds = array<i64: 32, 128, 128>}]} {
    %broadcast_in_dim3A = arith.constant 0.000000e+00 : f32
    %broadcast_in_dim3A_0 = vector.broadcast %broadcast_in_dim3A : f32 to vector<16384x128xf32>
    %swap3A = arith.constant 0 : index
    %swap3A_1 = arith.constant 0 : index
    %swap3A_2 = vector.load %arg4[%swap3A, %swap3A_1] : memref<16384x128xf32, #tpu.memory_space<vmem>>, vector<16384x128xf32>
    tpu.vector_store %arg4[%swap3A, %swap3A_1], %broadcast_in_dim3A_0 {strides = array<i32>} : memref<16384x128xf32, #tpu.memory_space<vmem>>, vector<16384x128xf32>,
    %eq3A = arith.constant 0 : i32
    %eq3A_3 = arith.cmpi eq, %arg0, %eq3A : i32
    %convert_element_type3A = arith.extui %eq3A_3 : i1 to i32
    %cond3A = arith.constant 0 : i32
    %cond3A_4 = arith.cmpi ne, %convert_element_type3A, %cond3A : i32
    scf.if %cond3A_4 {
      %broadcast_in_dim3A_22 = arith.constant 0.000000e+00 : f32
      %broadcast_in_dim3A_23 = vector.broadcast %broadcast_in_dim3A_22 : f32 to vector<2048x8xf32>
      %swap3A_24 = arith.constant 0 : index
      %swap3A_25 = arith.constant 0 : index
      %swap3A_26 = vector.load %arg10[%swap3A_24, %swap3A_25] : memref<2048x8xf32, #tpu.memory_space<vmem>>, vector<2048x8xf32>
      tpu.vector_store %arg10[%swap3A_24, %swap3A_25], %broadcast_in_dim3A_23 {strides = array<i32>} : memref<2048x8xf32, #tpu.memory_space<vmem>>, vector<2048x8xf32>,
    } else {
    }
    %get3A = arith.constant 0 : index
    %get3A_5 = arith.constant 0 : index
    %get3A_6 = vector.load %arg10[%get3A, %get3A_5] : memref<2048x8xf32, #tpu.memory_space<vmem>>, vector<2048x8xf32>
    %get3A_7 = arith.constant 0 : index
    %get3A_8 = arith.constant 0 : index
    %get3A_9 = vector.load %arg1[%get3A_7, %get3A_8] : memref<2048x128xf32, #tpu.memory_space<vmem>>, vector<2048x128xf32>
    %get3A_10 = arith.constant 0 : index
    %get3A_11 = arith.constant 0 : index
    %get3A_12 = vector.load %arg2[%get3A_10, %get3A_11] : memref<128x8xf32, #tpu.memory_space<vmem>>, vector<128x8xf32>
    %dot_general3A = arith.constant dense<0.000000e+00> : vector<2048x8xf32>
    %dot_general3A_13 = tpu.matmul %get3A_9, %get3A_12, %dot_general3A {dimension_numbers = #tpu.dot_dimension_numbers<[1], [0], [0], [1], [0, 0, 1, 1], [], []>, transpose_lhs_hint = false} : vector<2048x128xf32>, vector<128x8xf32>, vector<2048x8xf32> -> vector<2048x8xf32>
    %add3A = arith.addf %get3A_6, %dot_general3A_13 : vector<2048x8xf32>
    %swap3A_14 = arith.constant 0 : index
    %swap3A_15 = arith.constant 0 : index
    %swap3A_16 = vector.load %arg10[%swap3A_14, %swap3A_15] : memref<2048x8xf32, #tpu.memory_space<vmem>>, vector<2048x8xf32>
    tpu.vector_store %arg10[%swap3A_14, %swap3A_15], %add3A {strides = array<i32>} : memref<2048x8xf32, #tpu.memory_space<vmem>>, vector<2048x8xf32>,
    %eq3A_17 = arith.constant 31 : i32
    %eq3A_18 = arith.cmpi eq, %arg0, %eq3A_17 : i32
    %convert_element_type3A_19 = arith.extui %eq3A_18 : i1 to i32
    %cond3A_20 = arith.constant 0 : i32
    %cond3A_21 = arith.cmpi ne, %convert_element_type3A_19, %cond3A_20 : i32
    scf.if %cond3A_21 {
      %get3A_22 = arith.constant 0 : index
      %get3A_23 = arith.constant 0 : index
      %get3A_24 = vector.load %arg10[%get3A_22, %get3A_23] : memref<2048x8xf32, #tpu.memory_space<vmem>>, vector<2048x8xf32>
      %reduce_max3A = arith.constant dense<0xFF800000> : vector<2048xf32>
      %reduce_max3A_25 = vector.multi_reduction <maximumf>, %get3A_24, %reduce_max3A [1] : vector<2048x8xf32> to vector<2048xf32>
      %broadcast_in_dim3A_26 = vector.shape_cast %reduce_max3A_25 : vector<2048xf32> to vector<2048x1xf32>
      %sub3A = vector.broadcast %broadcast_in_dim3A_26 : vector<2048x1xf32> to vector<2048x8xf32>
      %sub3A_27 = arith.subf %get3A_24, %sub3A : vector<2048x8xf32>
      %exp3A = math.exp %sub3A_27 : vector<2048x8xf32>
      %reduce_sum3A = arith.constant dense<0.000000e+00> : vector<2048xf32>
      %reduce_sum3A_28 = vector.multi_reduction <add>, %exp3A, %reduce_sum3A [1] : vector<2048x8xf32> to vector<2048xf32>
      %broadcast_in_dim3A_29 = vector.shape_cast %reduce_sum3A_28 : vector<2048xf32> to vector<2048x1xf32>
      %div3A = vector.broadcast %broadcast_in_dim3A_29 : vector<2048x1xf32> to vector<2048x8xf32>
      %div3A_30 = arith.divf %exp3A, %div3A : vector<2048x8xf32>
      %iota3A = tpu.iota {dimensions = array<i32: 1>} : vector<2048x8xi32>
      %reduce_max3A_31 = arith.constant dense<0xFF800000> : vector<2048xf32>
      %reduce_max3A_32 = vector.multi_reduction <maximumf>, %div3A_30, %reduce_max3A_31 [1] : vector<2048x8xf32> to vector<2048xf32>
      %broadcast_in_dim3A_33 = vector.shape_cast %reduce_max3A_32 : vector<2048xf32> to vector<2048x1xf32>
      %eq3A_34 = vector.broadcast %broadcast_in_dim3A_33 : vector<2048x1xf32> to vector<2048x8xf32>
      %eq3A_35 = arith.cmpf oeq, %div3A_30, %eq3A_34 : vector<2048x8xf32>
      %jit3A = arith.constant 8 : i32
      %broadcast_in_dim3A_36 = vector.broadcast %jit3A : i32 to vector<2048x8xi32>
      %select_n3A = arith.select %eq3A_35, %iota3A, %broadcast_in_dim3A_36 : vector<2048x8xi1>, vector<2048x8xi32>
      %reduce_min3A = arith.constant dense<2147483647> : vector<2048xi32>
      %reduce_min3A_37 = vector.multi_reduction <minsi>, %select_n3A, %reduce_min3A [1] : vector<2048x8xi32> to vector<2048xi32>
      %broadcast_in_dim3A_38 = vector.shape_cast %reduce_min3A_37 : vector<2048xi32> to vector<2048x1xi32>
      %eq3A_39 = vector.broadcast %broadcast_in_dim3A_38 : vector<2048x1xi32> to vector<2048x8xi32>
      %eq3A_40 = arith.cmpi eq, %iota3A, %eq3A_39 : vector<2048x8xi32>
      %get3A_41 = arith.constant 0 : index
      %get3A_42 = arith.constant 0 : index
      %get3A_43 = vector.load %arg3[%get3A_41, %get3A_42] : memref<2048x8xf32, #tpu.memory_space<vmem>>, vector<2048x8xf32>
      %add3A_44 = arith.addf %get3A_24, %get3A_43 : vector<2048x8xf32>
      %jit3A_45 = arith.constant 0xFF800000 : f32
      %broadcast_in_dim3A_46 = vector.broadcast %jit3A_45 : f32 to vector<2048x8xf32>
      %select_n3A_47 = arith.select %eq3A_40, %broadcast_in_dim3A_46, %add3A_44 : vector<2048x8xi1>, vector<2048x8xf32>
      %reduce_max3A_48 = arith.constant dense<0xFF800000> : vector<2048xf32>
      %reduce_max3A_49 = vector.multi_reduction <maximumf>, %select_n3A_47, %reduce_max3A_48 [1] : vector<2048x8xf32> to vector<2048xf32>
      %broadcast_in_dim3A_50 = vector.shape_cast %reduce_max3A_49 : vector<2048xf32> to vector<2048x1xf32>
      %eq3A_51 = vector.broadcast %broadcast_in_dim3A_50 : vector<2048x1xf32> to vector<2048x8xf32>
      %eq3A_52 = arith.cmpf oeq, %select_n3A_47, %eq3A_51 : vector<2048x8xf32>
      %jit3A_53 = arith.constant 8 : i32
      %broadcast_in_dim3A_54 = vector.broadcast %jit3A_53 : i32 to vector<2048x8xi32>
      %select_n3A_55 = arith.select %eq3A_52, %iota3A, %broadcast_in_dim3A_54 : vector<2048x8xi1>, vector<2048x8xi32>
      %reduce_min3A_56 = arith.constant dense<2147483647> : vector<2048xi32>
      %reduce_min3A_57 = vector.multi_reduction <minsi>, %select_n3A_55, %reduce_min3A_56 [1] : vector<2048x8xi32> to vector<2048xi32>
      %broadcast_in_dim3A_58 = vector.shape_cast %reduce_min3A_57 : vector<2048xi32> to vector<2048x1xi32>
      %eq3A_59 = vector.broadcast %broadcast_in_dim3A_58 : vector<2048x1xi32> to vector<2048x8xi32>
      %eq3A_60 = arith.cmpi eq, %iota3A, %eq3A_59 : vector<2048x8xi32>
      %convert_element_type3A_61 = arith.extui %eq3A_40 : vector<2048x8xi1> to vector<2048x8xi32>
      %convert_element_type3A_62 = arith.sitofp %convert_element_type3A_61 : vector<2048x8xi32> to vector<2048x8xf32>
      %convert_element_type3A_63 = arith.extui %eq3A_60 : vector<2048x8xi1> to vector<2048x8xi32>
      %convert_element_type3A_64 = arith.sitofp %convert_element_type3A_63 : vector<2048x8xi32> to vector<2048x8xf32>
      %iota3A_65 = tpu.iota {dimensions = array<i32: 0>} : vector<2048x2048xi32>
      %iota3A_66 = tpu.iota {dimensions = array<i32: 1>} : vector<2048x2048xi32>
      %le3A = arith.cmpi sle, %iota3A_66, %iota3A_65 : vector<2048x2048xi32>
      %convert_element_type3A_67 = arith.extui %le3A : vector<2048x2048xi1> to vector<2048x2048xi32>
      %convert_element_type3A_68 = arith.sitofp %convert_element_type3A_67 : vector<2048x2048xi32> to vector<2048x2048xf32>
      %convert_element_type3A_69 = arith.truncf %convert_element_type3A_68 : vector<2048x2048xf32> to vector<2048x2048xbf16>
      %concatenate3A = tpu.concatenate %convert_element_type3A_62, %convert_element_type3A_64 in 1 : vector<2048x8xf32>, vector<2048x8xf32> -> vector<2048x16xf32>
      %convert_element_type3A_70 = arith.truncf %concatenate3A : vector<2048x16xf32> to vector<2048x16xbf16>
      %dot_general3A_71 = arith.constant dense<0.000000e+00> : vector<2048x16xf32>
      %dot_general3A_72 = tpu.matmul %convert_element_type3A_69, %convert_element_type3A_70, %dot_general3A_71 {dimension_numbers = #tpu.dot_dimension_numbers<[1], [0], [0], [1], [0, 0, 1, 1], [], []>, transpose_lhs_hint = false} : vector<2048x2048xbf16>, vector<2048x16xbf16>, vector<2048x16xf32> -> vector<2048x16xf32>
      %slice3A = vector.extract_strided_slice %dot_general3A_72 {offsets = [0, 0], sizes = [2048, 8], strides = [1, 1]} : vector<2048x16xf32> to vector<2048x8xf32>
      %slice3A_73 = vector.extract_strided_slice %dot_general3A_72 {offsets = [0, 8], sizes = [2048, 8], strides = [1, 1]} : vector<2048x16xf32> to vector<2048x8xf32>
      %reduce_sum3A_74 = arith.constant dense<0.000000e+00> : vector<8xf32>
      %reduce_sum3A_75 = vector.multi_reduction <add>, %convert_element_type3A_62, %reduce_sum3A_74 [0] : vector<2048x8xf32> to vector<8xf32>
      %broadcast_in_dim3A_76 = vector.shape_cast %reduce_sum3A_75 : vector<8xf32> to vector<1x8xf32>
      %mul3A = arith.mulf %slice3A, %convert_element_type3A_62 : vector<2048x8xf32>
      %reduce_sum3A_77 = arith.constant dense<0.000000e+00> : vector<2048xf32>
      %reduce_sum3A_78 = vector.multi_reduction <add>, %mul3A, %reduce_sum3A_77 [1] : vector<2048x8xf32> to vector<2048xf32>
      %broadcast_in_dim3A_79 = vector.shape_cast %reduce_sum3A_78 : vector<2048xf32> to vector<2048x1xf32>
      %sub3A_80 = arith.constant 1.000000e+00 : f32
      %sub3A_81 = vector.broadcast %sub3A_80 : f32 to vector<2048x1xf32>
      %sub3A_82 = arith.subf %broadcast_in_dim3A_79, %sub3A_81 : vector<2048x1xf32>
      %convert_element_type3A_83 = arith.fptosi %sub3A_82 : vector<2048x1xf32> to vector<2048x1xi32>
      %add3A_84 = vector.broadcast %broadcast_in_dim3A_76 : vector<1x8xf32> to vector<2048x8xf32>
      %add3A_85 = arith.addf %slice3A_73, %add3A_84 : vector<2048x8xf32>
      %mul3A_86 = arith.mulf %add3A_85, %convert_element_type3A_64 : vector<2048x8xf32>
      %reduce_sum3A_87 = arith.constant dense<0.000000e+00> : vector<2048xf32>
      %reduce_sum3A_88 = vector.multi_reduction <add>, %mul3A_86, %reduce_sum3A_87 [1] : vector<2048x8xf32> to vector<2048xf32>
      %broadcast_in_dim3A_89 = vector.shape_cast %reduce_sum3A_88 : vector<2048xf32> to vector<2048x1xf32>
      %sub3A_90 = arith.constant 1.000000e+00 : f32
      %sub3A_91 = vector.broadcast %sub3A_90 : f32 to vector<2048x1xf32>
      %sub3A_92 = arith.subf %broadcast_in_dim3A_89, %sub3A_91 : vector<2048x1xf32>
      %convert_element_type3A_93 = arith.fptosi %sub3A_92 : vector<2048x1xf32> to vector<2048x1xi32>
      %mul3A_94 = arith.mulf %div3A_30, %convert_element_type3A_62 : vector<2048x8xf32>
      %reduce_sum3A_95 = arith.constant dense<0.000000e+00> : vector<2048xf32>
      %reduce_sum3A_96 = vector.multi_reduction <add>, %mul3A_94, %reduce_sum3A_95 [1] : vector<2048x8xf32> to vector<2048xf32>
      %broadcast_in_dim3A_97 = vector.shape_cast %reduce_sum3A_96 : vector<2048xf32> to vector<2048x1xf32>
      %mul3A_98 = arith.mulf %div3A_30, %convert_element_type3A_64 : vector<2048x8xf32>
      %reduce_sum3A_99 = arith.constant dense<0.000000e+00> : vector<2048xf32>
      %reduce_sum3A_100 = vector.multi_reduction <add>, %mul3A_98, %reduce_sum3A_99 [1] : vector<2048x8xf32> to vector<2048xf32>
      %broadcast_in_dim3A_101 = vector.shape_cast %reduce_sum3A_100 : vector<2048xf32> to vector<2048x1xf32>
      %add3A_102 = arith.addf %broadcast_in_dim3A_97, %broadcast_in_dim3A_101 : vector<2048x1xf32>
      %max3A = arith.constant 1.1920929E-7 : f32
      %max3A_103 = vector.broadcast %max3A : f32 to vector<2048x1xf32>
      %max3A_104 = arith.maximumf %add3A_102, %max3A_103 : vector<2048x1xf32>
      %div3A_105 = arith.divf %broadcast_in_dim3A_97, %max3A_104 : vector<2048x1xf32>
      %div3A_106 = arith.divf %broadcast_in_dim3A_101, %max3A_104 : vector<2048x1xf32>
      %reduce_sum3A_107 = arith.constant dense<0.000000e+00> : vector<8xf32>
      %reduce_sum3A_108 = vector.multi_reduction <add>, %div3A_30, %reduce_sum3A_107 [0] : vector<2048x8xf32> to vector<8xf32>
      %broadcast_in_dim3A_109 = vector.shape_cast %reduce_sum3A_108 : vector<8xf32> to vector<1x8xf32>
      %div3A_110 = arith.constant 2.048000e+03 : f32
      %div3A_111 = vector.broadcast %div3A_110 : f32 to vector<1x8xf32>
      %div3A_112 = arith.divf %broadcast_in_dim3A_109, %div3A_111 : vector<1x8xf32>
      %div3A_113 = arith.constant 2.048000e+03 : f32
      %div3A_114 = vector.broadcast %div3A_113 : f32 to vector<1x8xf32>
      %div3A_115 = arith.divf %broadcast_in_dim3A_76, %div3A_114 : vector<1x8xf32>
      %mul3A_116 = arith.mulf %div3A_112, %div3A_115 : vector<1x8xf32>
      %reduce_sum3A_117 = vector.shape_cast %mul3A_116 : vector<1x8xf32> to vector<1x1x8xf32>
      %reduce_sum3A_118 = arith.constant dense<0.000000e+00> : vector<1xf32>
      %reduce_sum3A_119 = vector.multi_reduction <add>, %reduce_sum3A_117, %reduce_sum3A_118 [1, 2] : vector<1x1x8xf32> to vector<1xf32>
      %reduce_sum3A_120 = vector.shape_cast %reduce_sum3A_119 : vector<1xf32> to vector<1x1x1xf32>
      %reduce_sum3A_121 = vector.extract %reduce_sum3A_120[0, 0, 0] : f32 from vector<1x1x1xf32>
      %broadcast_in_dim3A_122 = vector.broadcast %reduce_sum3A_121 : f32 to vector<1x1xf32>
      %div3A_123 = arith.constant 8.000000e+00 : f32
      %div3A_124 = vector.broadcast %div3A_123 : f32 to vector<1x1xf32>
      %div3A_125 = arith.divf %broadcast_in_dim3A_122, %div3A_124 : vector<1x1xf32>
      %swap3A_126 = arith.constant 0 : index
      %swap3A_127 = arith.constant 0 : index
      %swap3A_128 = vector.load %arg5[%swap3A_126, %swap3A_127] : memref<1x1xf32, #tpu.memory_space<vmem>>, vector<1x1xf32>
      tpu.vector_store %arg5[%swap3A_126, %swap3A_127], %div3A_125 {strides = array<i32>} : memref<1x1xf32, #tpu.memory_space<vmem>>, vector<1x1xf32>,
      %iota3A_129 = tpu.iota {dimensions = array<i32: 0>} : vector<2048x1xi32>
      %mul3A_130 = arith.constant 8 : i32
      %mul3A_131 = vector.broadcast %mul3A_130 : i32 to vector<2048x1xi32>
      %mul3A_132 = arith.muli %iota3A_129, %mul3A_131 : vector<2048x1xi32>
      %add3A_133 = arith.addi %mul3A_132, %broadcast_in_dim3A_38 : vector<2048x1xi32>
      %mul3A_134 = arith.constant 4096 : i32
      %mul3A_135 = vector.broadcast %mul3A_134 : i32 to vector<2048x1xi32>
      %mul3A_136 = arith.muli %add3A_133, %mul3A_135 : vector<2048x1xi32>
      %add3A_137 = arith.addi %mul3A_136, %convert_element_type3A_83 : vector<2048x1xi32>
      %mul3A_138 = arith.constant 8 : i32
      %mul3A_139 = vector.broadcast %mul3A_138 : i32 to vector<2048x1xi32>
      %mul3A_140 = arith.muli %iota3A_129, %mul3A_139 : vector<2048x1xi32>
      %add3A_141 = arith.addi %mul3A_140, %broadcast_in_dim3A_58 : vector<2048x1xi32>
      %mul3A_142 = arith.constant 4096 : i32
      %mul3A_143 = vector.broadcast %mul3A_142 : i32 to vector<2048x1xi32>
      %mul3A_144 = arith.muli %add3A_141, %mul3A_143 : vector<2048x1xi32>
      %add3A_145 = arith.addi %mul3A_144, %convert_element_type3A_93 : vector<2048x1xi32>
      %concatenate3A_146 = tpu.concatenate %add3A_137, %add3A_145 in 0 : vector<2048x1xi32>, vector<2048x1xi32> -> vector<4096x1xi32>
      %concatenate3A_147 = tpu.concatenate %div3A_105, %div3A_106 in 0 : vector<2048x1xf32>, vector<2048x1xf32> -> vector<4096x1xf32>
      %ne3A = arith.constant 0.000000e+00 : f32
      %ne3A_148 = vector.broadcast %ne3A : f32 to vector<4096x1xf32>
      %ne3A_149 = arith.cmpf one, %concatenate3A_147, %ne3A_148 : vector<4096x1xf32>
      %iota3A_150 = tpu.iota {dimensions = array<i32: 1>} : vector<4096x128xi32>
      %and3A = arith.constant 127 : i32
      %and3A_151 = vector.broadcast %and3A : i32 to vector<4096x1xi32>
      %and3A_152 = arith.andi %concatenate3A_146, %and3A_151 : vector<4096x1xi32>
      %eq3A_153 = vector.broadcast %and3A_152 : vector<4096x1xi32> to vector<4096x128xi32>
      %eq3A_154 = arith.cmpi eq, %iota3A_150, %eq3A_153 : vector<4096x128xi32>
      %jit3A_155 = arith.constant 0.000000e+00 : f32
      %broadcast_in_dim3A_156 = vector.shape_cast %concatenate3A_147 : vector<4096x1xf32> to vector<4096x1xf32>
      %broadcast_in_dim3A_157 = vector.broadcast %broadcast_in_dim3A_156 : vector<4096x1xf32> to vector<4096x128xf32>
      %broadcast_in_dim3A_158 = vector.broadcast %jit3A_155 : f32 to vector<4096x128xf32>
      %select_n3A_159 = arith.select %eq3A_154, %broadcast_in_dim3A_157, %broadcast_in_dim3A_158 : vector<4096x128xi1>, vector<4096x128xf32>
      %reshape3A = vector.shape_cast %select_n3A_159 : vector<4096x128xf32> to vector<32x128x128xf32>
      %swap3A_160 = arith.constant 0 : index
      %swap3A_161 = arith.constant 0 : index
      %swap3A_162 = arith.constant 0 : index
      %swap3A_163 = vector.load %arg7[%swap3A_160, %swap3A_161, %swap3A_162] : memref<32x128x128xf32, #tpu.memory_space<vmem>>, vector<32x128x128xf32>
      tpu.vector_store %arg7[%swap3A_160, %swap3A_161, %swap3A_162], %reshape3A {strides = array<i32>} : memref<32x128x128xf32, #tpu.memory_space<vmem>>, vector<32x128x128xf32>,
      %shift_right_arithmetic3A = arith.constant 7 : i32
      %shift_right_arithmetic3A_164 = vector.broadcast %shift_right_arithmetic3A : i32 to vector<4096x1xi32>
      %shift_right_arithmetic3A_165 = arith.shrsi %concatenate3A_146, %shift_right_arithmetic3A_164 : vector<4096x1xi32>
      %reshape3A_166 = vector.shape_cast %shift_right_arithmetic3A_165 : vector<4096x1xi32> to vector<32x128xi32>
      %swap3A_167 = arith.constant 0 : index
      %swap3A_168 = arith.constant 0 : index
      %swap3A_169 = vector.load %arg6[%swap3A_167, %swap3A_168] : memref<32x128xi32, #tpu.memory_space<vmem>>, vector<32x128xi32>
      tpu.vector_store %arg6[%swap3A_167, %swap3A_168], %reshape3A_166 {strides = array<i32>} : memref<32x128xi32, #tpu.memory_space<vmem>>, vector<32x128xi32>,
      %shift_right_arithmetic3A_170 = arith.constant 7 : i32
      %shift_right_arithmetic3A_171 = vector.broadcast %shift_right_arithmetic3A_170 : i32 to vector<4096x1xi32>
      %shift_right_arithmetic3A_172 = arith.shrsi %concatenate3A_146, %shift_right_arithmetic3A_171 : vector<4096x1xi32>
      %and3A_173 = arith.constant 3 : i32
      %and3A_174 = vector.broadcast %and3A_173 : i32 to vector<4096x1xi32>
      %and3A_175 = arith.andi %shift_right_arithmetic3A_172, %and3A_174 : vector<4096x1xi32>
      %mul3A_176 = arith.constant 8 : i32
      %mul3A_177 = vector.broadcast %mul3A_176 : i32 to vector<4096x1xi32>
      %mul3A_178 = arith.muli %mul3A_177, %and3A_175 : vector<4096x1xi32>
      %shift_left3A = arith.constant 1 : i32
      %shift_left3A_179 = vector.broadcast %shift_left3A : i32 to vector<4096x1xi32>
      %shift_left3A_180 = arith.shli %shift_left3A_179, %mul3A_178 : vector<4096x1xi32>
      %jit3A_181 = arith.constant 0 : i32
      %broadcast_in_dim3A_182 = vector.broadcast %jit3A_181 : i32 to vector<4096x1xi32>
      %select_n3A_183 = arith.select %ne3A_149, %shift_left3A_180, %broadcast_in_dim3A_182 : vector<4096x1xi1>, vector<4096x1xi32>
      %and3A_184 = arith.constant 127 : i32
      %and3A_185 = vector.broadcast %and3A_184 : i32 to vector<4096x1xi32>
      %and3A_186 = arith.andi %concatenate3A_146, %and3A_185 : vector<4096x1xi32>
      %eq3A_187 = vector.broadcast %and3A_186 : vector<4096x1xi32> to vector<4096x128xi32>
      %eq3A_188 = arith.cmpi eq, %iota3A_150, %eq3A_187 : vector<4096x128xi32>
      %jit3A_189 = arith.constant 0 : i32
      %broadcast_in_dim3A_190 = vector.shape_cast %select_n3A_183 : vector<4096x1xi32> to vector<4096x1xi32>
      %broadcast_in_dim3A_191 = vector.broadcast %broadcast_in_dim3A_190 : vector<4096x1xi32> to vector<4096x128xi32>
      %broadcast_in_dim3A_192 = vector.broadcast %jit3A_189 : i32 to vector<4096x128xi32>
      %select_n3A_193 = arith.select %eq3A_188, %broadcast_in_dim3A_191, %broadcast_in_dim3A_192 : vector<4096x128xi1>, vector<4096x128xi32>
      %reshape3A_194 = vector.shape_cast %select_n3A_193 : vector<4096x128xi32> to vector<32x128x128xi32>
      %swap3A_195 = arith.constant 0 : index
      %swap3A_196 = arith.constant 0 : index
      %swap3A_197 = arith.constant 0 : index
      %swap3A_198 = vector.load %arg9[%swap3A_195, %swap3A_196, %swap3A_197] : memref<32x128x128xi32, #tpu.memory_space<vmem>>, vector<32x128x128xi32>
      tpu.vector_store %arg9[%swap3A_195, %swap3A_196, %swap3A_197], %reshape3A_194 {strides = array<i32>} : memref<32x128x128xi32, #tpu.memory_space<vmem>>, vector<32x128x128xi32>,
      %shift_right_arithmetic3A_199 = arith.constant 9 : i32
      %shift_right_arithmetic3A_200 = vector.broadcast %shift_right_arithmetic3A_199 : i32 to vector<4096x1xi32>
      %shift_right_arithmetic3A_201 = arith.shrsi %concatenate3A_146, %shift_right_arithmetic3A_200 : vector<4096x1xi32>
      %reshape3A_202 = vector.shape_cast %shift_right_arithmetic3A_201 : vector<4096x1xi32> to vector<32x128xi32>
      %swap3A_203 = arith.constant 0 : index
      %swap3A_204 = arith.constant 0 : index
      %swap3A_205 = vector.load %arg8[%swap3A_203, %swap3A_204] : memref<32x128xi32, #tpu.memory_space<vmem>>, vector<32x128xi32>
      tpu.vector_store %arg8[%swap3A_203, %swap3A_204], %reshape3A_202 {strides = array<i32>} : memref<32x128xi32, #tpu.memory_space<vmem>>, vector<32x128xi32>,
    } else {
    }
    return
  }
  func.func @transform_0(%arg0: i32) -> (i32, i32) {
    %c0_i32 = arith.constant 0 : i32
    %c0_i32_0 = arith.constant 0 : i32
    return %c0_i32, %arg0 : i32, i32
  }
  func.func @transform_1(%arg0: i32) -> (i32, i32) {
    %c0_i32 = arith.constant 0 : i32
    %c0_i32_0 = arith.constant 0 : i32
    return %arg0, %c0_i32 : i32, i32
  }
  func.func @transform_2(%arg0: i32) -> (i32, i32) {
    %c0_i32 = arith.constant 0 : i32
    %c0_i32_0 = arith.constant 0 : i32
    %c0_i32_1 = arith.constant 0 : i32
    return %c0_i32, %c0_i32_0 : i32, i32
  }
  func.func @transform_3(%arg0: i32) -> (i32, i32) {
    %c0_i32 = arith.constant 0 : i32
    %c0_i32_0 = arith.constant 0 : i32
    return %arg0, %c0_i32 : i32, i32
  }
  func.func @transform_4(%arg0: i32) -> (i32, i32) {
    %c0_i32 = arith.constant 0 : i32
    %c0_i32_0 = arith.constant 0 : i32
    %c0_i32_1 = arith.constant 0 : i32
    return %c0_i32, %c0_i32_0 : i32, i32
  }
  func.func @transform_5(%arg0: i32) -> (i32, i32) {
    %c0_i32 = arith.constant 0 : i32
    %c0_i32_0 = arith.constant 0 : i32
    %c0_i32_1 = arith.constant 0 : i32
    return %c0_i32, %c0_i32_0 : i32, i32
  }
  func.func @transform_6(%arg0: i32) -> (i32, i32, i32) {
    %c0_i32 = arith.constant 0 : i32
    %c0_i32_0 = arith.constant 0 : i32
    %c0_i32_1 = arith.constant 0 : i32
    %c0_i32_2 = arith.constant 0 : i32
    return %c0_i32, %c0_i32_0, %c0_i32_1 : i32, i32, i32
  }
  func.func @transform_7(%arg0: i32) -> (i32, i32) {
    %c0_i32 = arith.constant 0 : i32
    %c0_i32_0 = arith.constant 0 : i32
    %c0_i32_1 = arith.constant 0 : i32
    return %c0_i32, %c0_i32_0 : i32, i32
  }
  func.func @transform_8(%arg0: i32) -> (i32, i32, i32) {
    %c0_i32 = arith.constant 0 : i32
    %c0_i32_0 = arith.constant 0 : i32
    %c0_i32_1 = arith.constant 0 : i32
    %c0_i32_2 = arith.constant 0 : i32
    return %c0_i32, %c0_i32_0, %c0_i32_1 : i32, i32, i32
  }
}

</mosaic_0001>

<sc_bundles>
// kernel: kernel.4.cloned.1.call-start
scs
__scs_entry_jumppad:
0x0: {  	(pc) =	sbr.rel $0x88, $3  }
0x1: {  	(tag) =	ssettag $0x0;
	lr =	simm.s32 $0x1  }
0x2: {  	[smem:$0x3F9F] =	sst lr;
	_ =	strace $0xD0000000  }
0x3: {  	_ = 	snop  }
0x4: {  	_ = 	snop  }
0x5: {  	_ = 	snop  }
0x6: {  	_ = 	snop  }
0x7: {  	_ = 	snop  }
__scs_overlays_trampoline_lowered:
0x8: {  	[smem:$0x3FAE] =	sst s0  }
0x9: {  	[smem:$0x3FAF] =	sst s1  }
0xa: {  	[smem:$0x3FB0] =	sst s2  }
0xb: {  	[smem:$0x3FB1] =	sst s3  }
0xc: {  	[smem:$0x3FB2] =	sst s4  }
0xd: {  	[smem:$0x3FB3] =	sst s5  }
0xe: {  	[smem:$0x3FB4] =	sst s6  }
0xf: {  	[smem:$0x3FB5] =	sst s7  }
0x10: {  	[smem:$0x3FB6] =	sst s8  }
0x11: {  	[smem:$0x3FB7] =	sst s9;
	s0 =	simm.s32 @!p0 $0x0  }
0x12: {  	s1 =	sld [smem:$0x3F9D];
	s0 =	simm.s32 @p0 $0x1  }
0x13: {  	[smem:$0x3FB8] =	sst s0;
	s0 =	simm.s32 @!p1 $0x0  }
0x14: {  	s2 =	sld [smem:$0x3F9C];
	s0 =	simm.s32 @p1 $0x1  }
0x15: {  	[smem:$0x3FB9] =	sst s0;
	s0 =	simm.s32 @!p2 $0x0  }
0x16: {  	s3 =	sld [smem:$0x3FDB];
	s0 =	simm.s32 @p2 $0x1  }
0x17: {  	s4 =	simm.s32 $0x1BF5;
	[smem:$0x3FBB] =	sst s0  }
0x18: {  	s0 =	sld [smem:$0x3F9E];
	_ =	swait.ge [sflag:s4], $0x0  }
0x19: {  	s7 =	sld [smem:$0x3F9F]  }
0x1a: {  	s8 =	sadd.s32 $0xFFFFE003, lr  }
0x1b: {  	s9 =	sadd.s32 $0xFFFFFEF7, lr;
	s5 =	simm.s32 $0xFFFFFFFF;
	p2 =	slt.u32 s8, $0xFFFFF086  }
0x1c: {  	p1 =	slt.u32 s9, $0xF7A;
	s5 =	simm.s32 @!p2 $0x0  }
0x1d: {  	s5 =	simm.s32 @p1 $0x1;
	p0 =	seq.s32 s7, s2  }
0x1e: {  	s7 =	smul.u32 @!p0 $0xF7A, s2;
	p2 =	seq.s32 @!p0 s5, $0x0  }
0x1f: {  	s9 =	smul.u32 $0xF7A, s1;
	s8 =	simm.s32 @!p0 $0x1BF5;
	p2 =	por !p2, p0  }
0x20: {  	[sflag:s8] =	ssyncset.s32 @!p0 $0xFFFFF086;
	s6 =	sadd.s32 @!p0 s3, s7;
	s7 =	simm.s32 @!p0 $0x108  }
0x21: {  	s3 =	sadd.s32 s3, s9;
	s6 =	sadd.s32 @!p0 $0x88, s6;
	s7 =	simm.s32 @p2 $0x1082  }
0x22: {  	[simem:s7], [sflag:s8] =	dma.local @!p0 [hbm:s6], $0xF7A  }
0x23: {  	s9 =	sor.u32 $0xD0000000, s2;
	s6 =	simm.s32 $0x108;
	_ =	swait.ge @!p0 [sflag:s8], $0x0  }
0x24: {  	s3 =	sadd.s32 $0x88, s3;
	s6 =	simm.s32 @!p1 $0x1082;
	[sflag:s4] =	ssyncset.s32 $0xFFFFF086  }
0x25: {  	[simem:s6], [sflag:s4] =	dma.local [hbm:s3], $0xF7A  }
0x26: {  	[smem:$0x3F9F] =	sst s1;
	(tag) =	ssettag s2;
	_ =	strace s9  }
0x27: {  	s1 =	sld [smem:$0x3FAF]  }
0x28: {  	s2 =	sld [smem:$0x3FB0]  }
0x29: {  	s4 =	sld [smem:$0x3FB2]  }
0x2a: {  	p0 =	seq.s32 s5, $0x0;
	s5 =	sld [smem:$0x3FB3]  }
0x2b: {  	s6 =	sld [smem:$0x3FB4]  }
0x2c: {  	s7 =	sld [smem:$0x3FB5]  }
0x2d: {  	s3 =	simm.s32 $0x108;
	s8 =	sld [smem:$0x3FB6]  }
0x2e: {  	s3 =	simm.s32 @!p0 $0x1082;
	s9 =	sld [smem:$0x3FB7]  }
0x2f: {  	lr =	sadd.s32 s0, s3;
	s0 =	sld [smem:$0x3FAE]  }
0x30: {  	s3 =	sld [smem:$0x3FB1]  }
0x31: {  	[smem:$0x3FBA] =	sst s10  }
0x32: {  	s10 =	sld [smem:$0x3FB8];
	_ =	sdelay $0x3  }
0x33: {  	p0 =	seq.s32 s10, $0x1;
	s10 =	sld [smem:$0x3FBA];
	_ =	sdelay $0x3  }
0x34: {  	[smem:$0x3FBA] =	sst s10  }
0x35: {  	s10 =	sld [smem:$0x3FB9];
	_ =	sdelay $0x3  }
0x36: {  	p1 =	seq.s32 s10, $0x1;
	s10 =	sld [smem:$0x3FBA];
	_ =	sdelay $0x3  }
0x37: {  	[smem:$0x3FBA] =	sst s10  }
0x38: {  	s10 =	sld [smem:$0x3FBB]  }
0x39: {  	_ = 	snop;
	(pc) =	sbr.ind lr, $3  }
0x3a: {  	_ = 	snop  }
0x3b: {  	_ = 	snop  }
0x3c: {  	p2 =	seq.s32 s10, $0x1;
	s10 =	sld [smem:$0x3FBA]  }
0x3d: {  	_ =	shalt  }
0x3e: {  	_ =	shalt  }
0x3f: {  	_ =	shalt  }
0x40: {  	_ =	shalt  }
0x41: {  	_ =	shalt  }
0x42: {  	_ =	shalt  }
0x43: {  	_ =	shalt  }
0x44: {  	_ =	shalt  }
0x45: {  	_ =	shalt  }
0x46: {  	_ =	shalt  }
0x47: {  	_ =	shalt  }
0x48: {  	_ =	shalt  }
0x49: {  	_ =	shalt  }
0x4a: {  	_ =	shalt  }
0x4b: {  	_ =	shalt  }
0x4c: {  	_ =	shalt  }
0x4d: {  	_ =	shalt  }
0x4e: {  	_ =	shalt  }
0x4f: {  	_ =	shalt  }
0x50: {  	_ =	shalt  }
0x51: {  	_ =	shalt  }
0x52: {  	_ =	shalt  }
0x53: {  	_ =	shalt  }
0x54: {  	_ =	shalt  }
0x55: {  	_ =	shalt  }
0x56: {  	_ =	shalt  }
0x57: {  	_ =	shalt  }
0x58: {  	_ =	shalt  }
0x59: {  	_ =	shalt  }
0x5a: {  	_ =	shalt  }
0x5b: {  	_ =	shalt  }
0x5c: {  	_ =	shalt  }
0x5d: {  	_ =	shalt  }
0x5e: {  	_ =	shalt  }
0x5f: {  	_ =	shalt  }
0x60: {  	_ =	shalt  }
0x61: {  	_ =	shalt  }
0x62: {  	_ =	shalt  }
0x63: {  	_ =	shalt  }
0x64: {  	_ =	shalt  }
0x65: {  	_ =	shalt  }
0x66: {  	_ =	shalt  }
0x67: {  	_ =	shalt  }
0x68: {  	_ =	shalt  }
0x69: {  	_ =	shalt  }
0x6a: {  	_ =	shalt  }
0x6b: {  	_ =	shalt  }
0x6c: {  	_ =	shalt  }
0x6d: {  	_ =	shalt  }
0x6e: {  	_ =	shalt  }
0x6f: {  	_ =	shalt  }
0x70: {  	_ =	shalt  }
0x71: {  	_ =	shalt  }
0x72: {  	_ =	shalt  }
0x73: {  	_ =	shalt  }
0x74: {  	_ =	shalt  }
0x75: {  	_ =	shalt  }
0x76: {  	_ =	shalt  }
0x77: {  	_ =	shalt  }
0x78: {  	_ =	shalt  }
0x79: {  	_ =	shalt  }
0x7a: {  	_ =	shalt  }
0x7b: {  	_ =	shalt  }
0x7c: {  	_ =	shalt  }
0x7d: {  	_ =	shalt  }
0x7e: {  	_ =	shalt  }
0x7f: {  	_ =	shalt  }
0x80: {  	_ =	shalt  }
0x81: {  	_ =	shalt  }
0x82: {  	_ =	shalt  }
0x83: {  	_ =	shalt  }
0x84: {  	_ =	shalt  }
0x85: {  	_ =	shalt  }
0x86: {  	_ =	shalt  }
0x87: {  	_ =	shalt  }
.Lfunc_end0:
.L_simem_size_0:
called_computation_lowered:
.L_overlay_start_0:
0x88: {  	s2 =	sld [smem:$0x3FD9]  }
0x89: {  	s3 =	sld [smem:$0x3FFE];
	_ =	sdelay $0x1  }
0x8a: {  	s1 =	srdreg.scid  }
0x8b: {  	s0 =	sand.u32 $0x1, s1  }
0x8c: {  	s14 =	sshll.u32 s0, $0xA;
	s2 =	sadd.s32 s3, s2  }
0x8d: {  	s2 =	sadd.s32 s2, s14  }
0x8e: {  	[smem:$0x3FC6] =	sst s2  }
0x8f: {  	_ = 	snop  }
0x90: {  	s2 =	sld [smem:$0x3FD0];
	_ =	sdelay $0x2  }
0x91: {  	s15 =	simm.s32 $0xA;
	s4 =	simm.s32 $0x10  }
0x92: {  	[smem:s4], [sflag:s15] =	dma.local [hbm:s2], $0x1  }
0x93: {  	_ =	swait.eq [sflag:s15], $0x1  }
0x94: {  	[sflag:s15] =	ssyncset.done $0x0  }
0x95: {  	s16 =	sld [smem:$0x11];
	[sflag:s15] =	ssyncadd.s32 $0xFFFFFFFF  }
0x96: {  	s17 =	sld [smem:$0x12];
	(tm) =	ssettm $0x1  }
0x97: {  	s18 =	sld [smem:$0x3FFB];
	_ =	sdelay $0x3  }
0x98: {  	_ =	strace s18  }
0x99: {  	s4 =	sld [smem:$0x3FFC];
	_ =	sdelay $0x3  }
0x9a: {  	_ =	strace s4  }
0x9b: {  	s4 =	sld [smem:$0x3FFD];
	_ =	sdelay $0x3  }
0x9c: {  	_ =	strace s4  }
0x9d: {  	_ =	strace $0x8FFFFFFF  }
0x9e: {  	s19 =	sld [smem:$0x3FDB];
	_ =	sdelay $0x1  }
0x9f: {  	s5 =	simm.s32 $_scs_section_size  }
0xa0: {  	s6 =	simm.s32 $_size__tile_overlayer_lowered;
	s7 =	simm.s32 $_tile_overlayer_lowered  }
0xa1: {  	s22 =	simm.s32 $0x1BFF;
	s21 =	sshll.u32 s7, $0x1;
	s4 =	sadd.s32 s5, s19  }
0xa2: {  	s8 =	simm.s32 $0x0;
	s20 =	sshll.u32 s6, $0x1;
	s6 =	sadd.s32 s21, s4  }
0xa3: {  	[timem:s8], [sflag:s22] =	dma.local [hbm:s6], s20  }
0xa4: {  	_ =	swait.ge [sflag:s22], s20  }
0xa5: {  	s5 =	ssub.s32 $0x0, s20;
	[sflag:s22] =	ssyncset.done $0x0  }
0xa6: {  	[sflag:s22] =	ssyncadd.s32 s5;
	_ =	sdelay $0x1  }
0xa7: {  	s23 =	simm.s32 $0x1B8B  }
0xa8: {  	_ =	swait.ge [sflag:s23], $0x1  }
0xa9: {  	[sflag:s23] =	ssyncset.done $0x0  }
0xaa: {  	s25 =	simm.s32 $0x1B8E;
	s24 =	sld [smem:$0x3FFE];
	[sflag:s23] =	ssyncadd.s32 $0xFFFFFFFF  }
0xab: {  	s26 =	simm.s32 $execute0_lowered;
	[smem:$0x3FD2] =	sst s25  }
0xac: {  	s6 =	sshll.u32 s26, $0x1;
	_ =	strace $0x80000046;
	[dreg:$0x1] =	wrdreg $0xFFFFFFFF  }
0xad: {  	s28 =	simm.s32 $_size_execute0_lowered;
	s4 =	sadd.s32 s4, s6;
	[dreg:$0x0] =	wrdreg $0x0  }
0xae: {  	s6 =	sshll.u32 s28, $0x1;
	[dreg:$0x2] =	wrdreg s4  }
0xaf: {  	[dreg:$0x3] =	wrdreg s6  }
0xb0: {  	[dreg:$0x4] =	wrdreg $0xC0  }
0xb1: {  	_ =	task [dreg:s8], $0x5FFFF  }
0xb2: {  	[dreg:$0x1] =	wrdreg $0xFFFFFFFF  }
0xb3: {  	[dreg:$0x0] =	wrdreg $0x60  }
0xb4: {  	[dreg:$0x2] =	wrdreg s16  }
0xb5: {  	[dreg:$0x3] =	wrdreg s24  }
0xb6: {  	[dreg:$0x4] =	wrdreg s17  }
0xb7: {  	[dreg:$0x5] =	wrdreg $0x9  }
0xb8: {  	_ =	task.clear_ibuf [dreg:s8], $0x6FFFF;
	_ =	strace $0x90000046  }
0xb9: {  	s29 =	simm.s32 $0x9;
	_ =	strace $0x80000048  }
0xba: {  	_ =	swait.ge [sflag:s29], $0x1  }
0xbb: {  	[sflag:s29] =	ssyncadd.s32 $0xFFFFFFFF  }
0xbc: {  	_ =	strace $0x90000048  }
0xbd: {  	_ =	sfence  }
0xbe: {  	s30 =	sld [smem:$0x0];
	_ =	sdelay $0x2  }
0xbf: {  	s31 =	sshll.u32 s1, $0xD;
	s1 =	sshrl.u32 s1, $0x2  }
0xc0: {  	s3 =	sand.u32 $0x4000, s31;
	s1 =	sadd.s32 s1, s30  }
0xc1: {  	s0 =	sor.u32 s3, s0;
	s1 =	sshll.u32 s1, $0x11  }
0xc2: {  	s0 =	sor.u32 s1, s0  }
0xc3: {  	s0 =	sadd.s32 $0x8F2B, s0  }
0xc4: {  	[sflag:s0] =	ssyncadd.remote.s32 $0x1  }
0xc5: {  	_ =	sfence.sel $0xFFFF  }
0xc6: {  	[dreg:$0x0] =	wrdreg $0xFFFFFFFF;
	(pc) =	sbr.abs _section_cstart, $3  }
0xc7: {  	[dreg:$0x1] =	wrdreg $0xFFFFFFFF  }
0xc8: {  	_ =	task.clear_ibuf [dreg:s8], $0x2FFFF;
	_ =	strace $0x9FFFFFFF  }
0xc9: {  	(tm) =	ssettm $0x7FFFFFFF  }
tec
execute0_lowered:
.L_overlay_start_1:
0x0: {  	(tag) =	ssettag $0x1  }
0x1: {  	s2 =	srdreg.scid;
	s0 =	stileid.u32  }
0x2: {  	s1 =	rddreg [dreg:$0x0];
	s13 =	sand.u32 $0x1, s2;
	s31 =	sshll.u32 s0, $0x1  }
0x3: {  	s12 =	rddreg [dreg:$0x1];
	s7 =	sor.u32 s13, s31  }
0x4: {  	s6 =	rddreg [dreg:$0x2];
	s3 =	simm.s32 $0x0;
	s4 =	sshll.u32 s7, $0x4  }
0x5: {  	s5 =	simm.s32 $0x3;
	[smem:$0x7FF] =	sst s3;
	s8 =	sadd.s32 s4, s12  }
0x6: {  	s2 =	rddreg [dreg:$0x3];
	_ =	strace $0x80000047;
	s4 =	sadd.s32 $0x11400, s8  }
0x7: {  	[tilespmem:s3], [sflag:$0x3] =	stream.linear.gather [hbm4b:s4+s3], $0x80, $0x38;
	[tilespmem:$0x8100] =	vst v63  }
0x8: {  	_ =	swait.ge [sflag:s5], $0x80  }
0x9: {  	s10 =	sshll.u32 s7, $0xB;
	[sflag:s5] =	ssyncset.done $0x0  }
0xa: {  	s7 =	simm.s32 $0x80;
	s6 =	sadd.s32 s6, s10;
	[sflag:s5] =	ssyncadd.s32 $0xFFFFFF80  }
0xb: {  	[tilespmem:s7], [sflag:$0x3] =	stream.linear.gather [hbm4b:s6+s3], $0x4000, $0x38;
	[tilespmem:$0x8100] =	vst v63  }
0xc: {  	_ =	swait.ge [sflag:s5], $0x4000  }
0xd: {  	[sflag:s5] =	ssyncset.done $0x0  }
0xe: {  	s9 =	simm.s32 $0x4080;
	s8 =	sadd.s32 $0x11600, s8;
	[sflag:s5] =	ssyncadd.s32 $0xFFFFC000  }
0xf: {  	[tilespmem:s9], [sflag:$0x3] =	stream.linear.gather [hbm4b:s8+s3], $0x80, $0x38;
	[tilespmem:$0x8100] =	vst v63  }
0x10: {  	_ =	swait.ge [sflag:s5], $0x80  }
0x11: {  	s11 =	simm.s32 $0x4100;
	s10 =	sadd.s32 s10, s12;
	[sflag:s5] =	ssyncset.done $0x0  }
0x12: {  	s14 =	ssub.s32 $0x2, s13;
	s10 =	sadd.s32 $0x1400, s10;
	[sflag:s5] =	ssyncadd.s32 $0xFFFFFF80  }
0x13: {  	[tilespmem:s11], [sflag:$0x3] =	stream.linear.gather [hbm4b:s10+s3], $0x4000, $0x38;
	[tilespmem:$0x8100] =	vst v63  }
0x14: {  	s15 =	sshrl.u32 s14, $0x1;
	_ =	swait.ge [sflag:s5], $0x4000  }
0x15: {  	s14 =	ssub.s32 s14, s15;
	[sflag:s5] =	ssyncset.done $0x0  }
0x16: {  	s15 =	smax.u32 s14, $0x1;
	[sflag:s5] =	ssyncadd.s32 $0xFFFFC000  }
0x17: {  	[hbm4b:s1+s7] =	stream.indirect.scatter [tilespmem:s7], [sflag:$0x1], $0x80, s3, s7, $0xb8;
	[tilespmem:$0x8100] =	vst v63  }
0x18: {  	s13 =	simm.s32 $0x1;
	s12 =	sadd.s32 $0x11800, s12;
	p0 =	sne.s32 s15, $0x1  }
0x19: {  	[hbm4b:s12+s7] =	stream.indirect.scatter [tilespmem:s11], [sflag:$0x2], $0x80, s9, s7, $0xb8;
	[tilespmem:$0x8100] =	vst v63  }
.Ltmp0:
0x1a: {  	_ =	swait.ge [sflag:s13], $0x4000;
	(pc) =	sbr.rel @!p0 .LBB2_2-.Ltmp0, $4  }
0x1b: {  	[sflag:s13] =	ssyncset.done $0x0  }
0x1c: {  	s14 =	simm.s32 $0x2;
	[sflag:s13] =	ssyncadd.s32 $0xFFFFC000  }
0x1d: {  	_ =	swait.ge [sflag:s14], $0x4000  }
0x1e: {  	s15 =	sadd.s32 $0xFFFFFFFF, s15;
	[sflag:s14] =	ssyncset.done $0x0  }
.LBB2_1:
0x1f: {  	p0 =	sne.s32 s15, $0x1;
	s15 =	sadd.s32 $0xFFFFFFFF, s15;
	[sflag:s14] =	ssyncadd.s32 $0xFFFFC000  }
0x20: {  	[tilespmem:s3], [sflag:$0x3] =	stream.linear.gather [hbm4b:s4+s3], $0x80, $0x38;
	[tilespmem:$0x8100] =	vst v63  }
0x21: {  	_ =	swait.ge [sflag:s5], $0x80  }
0x22: {  	[sflag:s5] =	ssyncset.done $0x0  }
0x23: {  	[sflag:s5] =	ssyncadd.s32 $0xFFFFFF80  }
0x24: {  	[tilespmem:s7], [sflag:$0x3] =	stream.linear.gather [hbm4b:s6+s3], $0x4000, $0x38;
	[tilespmem:$0x8100] =	vst v63  }
0x25: {  	_ =	swait.ge [sflag:s5], $0x4000  }
0x26: {  	[sflag:s5] =	ssyncset.done $0x0  }
0x27: {  	[sflag:s5] =	ssyncadd.s32 $0xFFFFC000  }
0x28: {  	[tilespmem:s9], [sflag:$0x3] =	stream.linear.gather [hbm4b:s8+s3], $0x80, $0x38;
	[tilespmem:$0x8100] =	vst v63  }
0x29: {  	_ =	swait.ge [sflag:s5], $0x80  }
0x2a: {  	[sflag:s5] =	ssyncset.done $0x0  }
0x2b: {  	[sflag:s5] =	ssyncadd.s32 $0xFFFFFF80  }
0x2c: {  	[tilespmem:s11], [sflag:$0x3] =	stream.linear.gather [hbm4b:s10+s3], $0x4000, $0x38;
	[tilespmem:$0x8100] =	vst v63  }
0x2d: {  	_ =	swait.ge [sflag:s5], $0x4000  }
0x2e: {  	[sflag:s5] =	ssyncset.done $0x0  }
0x2f: {  	[sflag:s5] =	ssyncadd.s32 $0xFFFFC000  }
0x30: {  	[hbm4b:s1+s7] =	stream.indirect.scatter [tilespmem:s7], [sflag:$0x1], $0x80, s3, s7, $0xb8;
	[tilespmem:$0x8100] =	vst v63  }
0x31: {  	_ = 	snop  }
0x32: {  	[hbm4b:s12+s7] =	stream.indirect.scatter [tilespmem:s11], [sflag:$0x2], $0x80, s9, s7, $0xb8;
	[tilespmem:$0x8100] =	vst v63  }
.Ltmp1:
0x33: {  	_ =	swait.ge [sflag:s13], $0x4000;
	(pc) =	sbr.rel @p0 .LBB2_1-.Ltmp1, $4  }
0x34: {  	[sflag:s13] =	ssyncset.done $0x0  }
0x35: {  	[sflag:s13] =	ssyncadd.s32 $0xFFFFC000  }
0x36: {  	_ =	swait.ge [sflag:s14], $0x4000  }
0x37: {  	[sflag:s14] =	ssyncset.done $0x0  }
.LBB2_2:
0x38: {  	[sflag:s14] =	ssyncadd.s32 $0xFFFFC000  }
0x39: {  	_ =	sfence.sel $0x180000  }
0x3a: {  	[bflag:$0x0] =	sbarrier.arrive $0xFFFF  }
0x3b: {  	p0 =	sne.s32 s0, $0x0;
	_ =	strace $0x90000047  }
0x3c: {  	s0 =	sadd.s32 @!p0 $0x100000, s2;
	[bflag:$0x2] =	sbarrier.arrive $0xFFFF  }
0x3d: {  	[sflag:s0] =	ssyncadd.tile.s32 @!p0 $0x1;
	_ =	shalt  }
.Lfunc_end2:
_tile_overlayer_lowered:
.L_overlay_start_2:
0x3e: {  	(tag) =	ssettag $0x2  }
0x3f: {  	s0 =	rddreg [dreg:$0x0];
	s2 =	stileid.u32  }
0x40: {  	s1 =	rddreg [dreg:$0x1];
	p0 =	sne.s32 s2, $0x0  }
0x41: {  	s3 =	rddreg [dreg:$0x2];
	[bflag:$0x3] =	sbarrier.arrive $0xFFFF;
	s2 =	simm.s32 @!p0 $0x1C03  }
0x42: {  	[timem:s3], [sflag:s2] =	dma.local @!p0 [hbm:s0], s1  }
0x43: {  	s0 =	simm.s32 @!p0 $0x3  }
0x44: {  	_ =	swait.ge @!p0 [sflag:s0], s1  }
0x45: {  	s1 =	ssub.s32 @!p0 $0x0, s1;
	[sflag:s0] =	ssyncset.done @!p0 $0x0  }
0x46: {  	[sflag:s0] =	ssyncadd.s32 @!p0 s1  }
0x47: {  	[bflag:$0x3] =	sbarrier.arrive $0xFFFF  }
0x48: {  	_ =	shalt  }

</sc_bundles>
